<compile_context>
chip_gen: v7x
topology: tpu7x:2x2x1
jax: 0.10.2.dev20260603
libtpu: 0.0.44.dev20260713+nightly
codegen_flags: <defaults>
</compile_context>

<pallas_src>
import functools

import jax
import jax.numpy as jnp
from jax import lax
from jax.experimental import pallas as pl
from jax.experimental.pallas import tpu as pltpu
from jax.experimental.pallas import tpu_sc as plsc

_K = 32
_B = 16384
_NC = 2
_NS = 16
_NW = _NC * _NS
_BPW = _B // _NW

_BLK = 2048


_sc_mesh = plsc.VectorSubcoreMesh(core_axis_name="c", subcore_axis_name="s")


@functools.partial(
    pl.kernel,
    mesh=_sc_mesh,
    compiler_params=pltpu.CompilerParams(use_tc_tiling_on_sc=False),
    out_type=[jax.ShapeDtypeStruct((_B, _K), jnp.float32)] * 4,
    scratch_types=[
        pltpu.VMEM((_BPW,), jnp.int32),
        pltpu.VMEM((_BPW,), jnp.int32),
        pltpu.VMEM((_BPW,), jnp.int32),
        pltpu.VMEM((_BPW,), jnp.int32),
        pltpu.VMEM((_BPW, _K), jnp.float32),
        pltpu.VMEM((_BPW, _K), jnp.float32),
        pltpu.VMEM((_BPW, _K), jnp.float32),
        pltpu.VMEM((_BPW, _K), jnp.float32),
        pltpu.SemaphoreType.DMA,
    ],
)
def _sc_gather(user_hbm, item_hbm, tag_hbm, uid_hbm, iid_hbm, pid_hbm, nid_hbm,
               uo, io, to, no,
               uidx, iidx, pidx, nidx, ubuf, ibuf, tbuf, nbuf, sem):
    wid = lax.axis_index("s") * _NC + lax.axis_index("c")
    base = wid * _BPW
    sl = pl.ds(base, _BPW)
    pltpu.sync_copy(uid_hbm.at[sl], uidx)
    pltpu.sync_copy(iid_hbm.at[sl], iidx)
    pltpu.sync_copy(pid_hbm.at[sl], pidx)
    pltpu.sync_copy(nid_hbm.at[sl], nidx)
    cu = pltpu.async_copy(user_hbm.at[uidx], ubuf, sem)
    ci = pltpu.async_copy(item_hbm.at[iidx], ibuf, sem)
    ct = pltpu.async_copy(tag_hbm.at[pidx], tbuf, sem)
    cn = pltpu.async_copy(tag_hbm.at[nidx], nbuf, sem)
    cu.wait()
    ci.wait()
    ct.wait()
    cn.wait()
    pltpu.sync_copy(ubuf, uo.at[sl])
    pltpu.sync_copy(ibuf, io.at[sl])
    pltpu.sync_copy(tbuf, to.at[sl])
    pltpu.sync_copy(nbuf, no.at[sl])


def _tc_dense_body(uv, iv, tv, nv, wut, wit, bu, bi, out):
    t = tv[...]
    n = nv[...]
    wu = wut[...]
    wi = wit[...]
    ut = jax.nn.sigmoid(jnp.dot(t, wu, preferred_element_type=jnp.float32) + bu[...])
    it = jax.nn.sigmoid(jnp.dot(t, wi, preferred_element_type=jnp.float32) + bi[...])
    nu = jax.nn.sigmoid(jnp.dot(n, wu, preferred_element_type=jnp.float32) + bu[...])
    ni = jax.nn.sigmoid(jnp.dot(n, wi, preferred_element_type=jnp.float32) + bi[...])
    out[...] = jnp.sum(uv[...] * (ut - nu) + iv[...] * (it - ni), axis=1)


_tc_dense = pl.pallas_call(
    _tc_dense_body,
    grid=(_B // _BLK,),
    in_specs=[
        pl.BlockSpec((_BLK, _K), lambda i: (i, 0)),
        pl.BlockSpec((_BLK, _K), lambda i: (i, 0)),
        pl.BlockSpec((_BLK, _K), lambda i: (i, 0)),
        pl.BlockSpec((_BLK, _K), lambda i: (i, 0)),
        pl.BlockSpec((_K, _K), lambda i: (0, 0)),
        pl.BlockSpec((_K, _K), lambda i: (0, 0)),
        pl.BlockSpec((1, _K), lambda i: (0, 0)),
        pl.BlockSpec((1, _K), lambda i: (0, 0)),
    ],
    out_specs=pl.BlockSpec((_BLK,), lambda i: (i,)),
    out_shape=jax.ShapeDtypeStruct((_B,), jnp.float32),
)


def kernel(x, userVecs, itemVecs, tagVecs, Wu, bu, Wi, bi):
    if x.ndim == 1:
        x = x.reshape(1, -1)
    xi = x.astype(jnp.int32)
    uid, iid, pid, nid = xi[:, 0], xi[:, 1], xi[:, 2], xi[:, 3]
    uv, iv, tv, nv = _sc_gather(userVecs, itemVecs, tagVecs, uid, iid, pid, nid)
    return _tc_dense(uv, iv, tv, nv, Wu.T, Wi.T, bu[None, :], bi[None, :])

# --- scband reference (transcript-rebuilt; emitter-appended) ---
"""Pipeline reference for scband-trans-pitf-1211180777751 (READ-ONLY COPY).

The authoritative reference and input builder live on the scoring server;
editing this copy changes nothing except your own understanding.
"""

import jax, jax.numpy as jnp
import numpy as np

NUM_USER = 1000000
NUM_ITEM = 1000000
NUM_TAG = 1000000
K = 32
BATCH = 16384
INIT_ST = 0.01


def setup_inputs(seed: int = 0) -> dict:
    key = jax.random.key(seed)
    ks = jax.random.split(key, 8)
    x = jax.random.randint(ks[0], (BATCH, 4), 0, NUM_TAG)
    userVecs = jax.random.normal(ks[1], (NUM_USER, K), dtype=jnp.float32) * INIT_ST
    itemVecs = jax.random.normal(ks[2], (NUM_ITEM, K), dtype=jnp.float32) * INIT_ST
    tagVecs = jax.random.normal(ks[3], (NUM_TAG, K), dtype=jnp.float32) * INIT_ST
    lim = np.sqrt(3.0 / K)
    Wu = jax.random.uniform(ks[4], (K, K), dtype=jnp.float32, minval=-lim, maxval=lim)
    bu = jnp.zeros((K,), dtype=jnp.float32)
    Wi = jax.random.uniform(ks[5], (K, K), dtype=jnp.float32, minval=-lim, maxval=lim)
    bi = jnp.zeros((K,), dtype=jnp.float32)
    return {"x": x, "userVecs": userVecs, "itemVecs": itemVecs, "tagVecs": tagVecs,
            "Wu": Wu, "bu": bu, "Wi": Wi, "bi": bi}


def reference(x, userVecs, itemVecs, tagVecs, Wu, bu, Wi, bi):
    if x.ndim == 1:
        x = x.reshape(1, -1)
    user_id = x[:, 0]
    item_id = x[:, 1]
    pos_id = x[:, 2]
    neg_id = x[:, 3]
    user_vec = jnp.take(userVecs, user_id, axis=0)
    item_vec = jnp.take(itemVecs, item_id, axis=0)
    tag_vec = jnp.take(tagVecs, pos_id, axis=0)
    neg_tag_vec = jnp.take(tagVecs, neg_id, axis=0)
    user_tag_vec = jax.nn.sigmoid(tag_vec @ Wu.T + bu)
    item_tag_vec = jax.nn.sigmoid(tag_vec @ Wi.T + bi)
    neg_user_tag_vec = jax.nn.sigmoid(neg_tag_vec @ Wu.T + bu)
    neg_item_tag_vec = jax.nn.sigmoid(neg_tag_vec @ Wi.T + bi)
    r = (jnp.sum(user_vec * user_tag_vec, axis=1)
         + jnp.sum(item_vec * item_tag_vec, axis=1)
         - (jnp.sum(user_vec * neg_user_tag_vec, axis=1)
            + jnp.sum(item_vec * neg_item_tag_vec, axis=1)))
    return r

if __name__ == "__main__":
    import jax
    _d = setup_inputs()
    print(jax.jit(kernel)(*tuple(_d.values())))

</pallas_src>

<mosaic_0001>
#map = affine_map<(d0, d1) -> (0, 0)>
#map1 = affine_map<(d0, d1) -> (0)>
module attributes {stable_mosaic.version = 14 : i64} {
  func.func @_sc_gather(%arg0: i32, %arg1: i32, %arg2: memref<1000000x32xf32, #tpu.memory_space<hbm>>, %arg3: memref<1000000x32xf32, #tpu.memory_space<hbm>>, %arg4: memref<1000000x32xf32, #tpu.memory_space<hbm>>, %arg5: memref<16384xi32, #tpu.memory_space<hbm>>, %arg6: memref<16384xi32, #tpu.memory_space<hbm>>, %arg7: memref<16384xi32, #tpu.memory_space<hbm>>, %arg8: memref<16384xi32, #tpu.memory_space<hbm>>, %arg9: memref<16384x32xf32, #tpu.memory_space<hbm>>, %arg10: memref<16384x32xf32, #tpu.memory_space<hbm>>, %arg11: memref<16384x32xf32, #tpu.memory_space<hbm>>, %arg12: memref<16384x32xf32, #tpu.memory_space<hbm>>, %arg13: memref<512xi32, #tpu.memory_space<vmem>>, %arg14: memref<512xi32, #tpu.memory_space<vmem>>, %arg15: memref<512xi32, #tpu.memory_space<vmem>>, %arg16: memref<512xi32, #tpu.memory_space<vmem>>, %arg17: memref<512x32xf32, #tpu.memory_space<vmem>>, %arg18: memref<512x32xf32, #tpu.memory_space<vmem>>, %arg19: memref<512x32xf32, #tpu.memory_space<vmem>>, %arg20: memref<512x32xf32, #tpu.memory_space<vmem>>, %arg21: memref<!tpu.dma_semaphore, #tpu.memory_space<semaphore_mem>>) attributes {dimension_semantics = [#tpu.dimension_semantics<core_parallel>, #tpu.dimension_semantics<subcore_parallel>], iteration_bounds = array<i64: 2, 16>, scalar_prefetch = 0 : i64, scratch_operands = 9 : i64, tpu.core_type = #tpu.core_type<sc_vector_subcore>, window_params = [{transform_indices = #map}, {transform_indices = #map}, {transform_indices = #map}, {transform_indices = #map1}, {transform_indices = #map1}, {transform_indices = #map1}, {transform_indices = #map1}, {transform_indices = #map}, {transform_indices = #map}, {transform_indices = #map}, {transform_indices = #map}]} {
    %mul3A = arith.constant 2 : i32
    %mul3A_0 = arith.muli %arg1, %mul3A : i32
    %add3A = arith.addi %mul3A_0, %arg0 : i32
    %mul3A_1 = arith.constant 512 : i32
    %mul3A_2 = arith.muli %add3A, %mul3A_1 : i32
    "tpu.region"() ({
      %run_scoped3A = tpu.sem_alloc : memref<!tpu.dma_semaphore, #tpu.memory_space<semaphore_mem>>
      %dma_start3A_25 = tpu.memref_slice %arg5[%mul3A_2] : memref<16384xi32, #tpu.memory_space<hbm>> -> memref<512xi32, #tpu.memory_space<hbm>>
      %dma_start3A_26 = tpu.memref_slice %arg5[%mul3A_2] : memref<16384xi32, #tpu.memory_space<hbm>> -> memref<512xi32, #tpu.memory_space<hbm>>
      tpu.enqueue_dma source(%dma_start3A_26 : memref<512xi32, #tpu.memory_space<hbm>>) target(%arg13 : memref<512xi32, #tpu.memory_space<vmem>>) target_semaphore(%run_scoped3A : memref<!tpu.dma_semaphore, #tpu.memory_space<semaphore_mem>>)
      %dma_wait3A_27 = tpu.memref_slice %arg5[%mul3A_2] : memref<16384xi32, #tpu.memory_space<hbm>> -> memref<512xi32, #tpu.memory_space<hbm>>
      %dma_wait3A_28 = tpu.memref_slice %arg5[%mul3A_2] : memref<16384xi32, #tpu.memory_space<hbm>> -> memref<512xi32, #tpu.memory_space<hbm>>
      tpu.wait_dma2 semaphore(%run_scoped3A : memref<!tpu.dma_semaphore, #tpu.memory_space<semaphore_mem>>) src(%dma_wait3A_28 : memref<512xi32, #tpu.memory_space<hbm>>) dst(%arg13 : memref<512xi32, #tpu.memory_space<vmem>>)
      tpu.yield
    }) : () -> ()
    "tpu.region"() ({
      %run_scoped3A = tpu.sem_alloc : memref<!tpu.dma_semaphore, #tpu.memory_space<semaphore_mem>>
      %dma_start3A_25 = tpu.memref_slice %arg6[%mul3A_2] : memref<16384xi32, #tpu.memory_space<hbm>> -> memref<512xi32, #tpu.memory_space<hbm>>
      %dma_start3A_26 = tpu.memref_slice %arg6[%mul3A_2] : memref<16384xi32, #tpu.memory_space<hbm>> -> memref<512xi32, #tpu.memory_space<hbm>>
      tpu.enqueue_dma source(%dma_start3A_26 : memref<512xi32, #tpu.memory_space<hbm>>) target(%arg14 : memref<512xi32, #tpu.memory_space<vmem>>) target_semaphore(%run_scoped3A : memref<!tpu.dma_semaphore, #tpu.memory_space<semaphore_mem>>)
      %dma_wait3A_27 = tpu.memref_slice %arg6[%mul3A_2] : memref<16384xi32, #tpu.memory_space<hbm>> -> memref<512xi32, #tpu.memory_space<hbm>>
      %dma_wait3A_28 = tpu.memref_slice %arg6[%mul3A_2] : memref<16384xi32, #tpu.memory_space<hbm>> -> memref<512xi32, #tpu.memory_space<hbm>>
      tpu.wait_dma2 semaphore(%run_scoped3A : memref<!tpu.dma_semaphore, #tpu.memory_space<semaphore_mem>>) src(%dma_wait3A_28 : memref<512xi32, #tpu.memory_space<hbm>>) dst(%arg14 : memref<512xi32, #tpu.memory_space<vmem>>)
      tpu.yield
    }) : () -> ()
    "tpu.region"() ({
      %run_scoped3A = tpu.sem_alloc : memref<!tpu.dma_semaphore, #tpu.memory_space<semaphore_mem>>
      %dma_start3A_25 = tpu.memref_slice %arg7[%mul3A_2] : memref<16384xi32, #tpu.memory_space<hbm>> -> memref<512xi32, #tpu.memory_space<hbm>>
      %dma_start3A_26 = tpu.memref_slice %arg7[%mul3A_2] : memref<16384xi32, #tpu.memory_space<hbm>> -> memref<512xi32, #tpu.memory_space<hbm>>
      tpu.enqueue_dma source(%dma_start3A_26 : memref<512xi32, #tpu.memory_space<hbm>>) target(%arg15 : memref<512xi32, #tpu.memory_space<vmem>>) target_semaphore(%run_scoped3A : memref<!tpu.dma_semaphore, #tpu.memory_space<semaphore_mem>>)
      %dma_wait3A_27 = tpu.memref_slice %arg7[%mul3A_2] : memref<16384xi32, #tpu.memory_space<hbm>> -> memref<512xi32, #tpu.memory_space<hbm>>
      %dma_wait3A_28 = tpu.memref_slice %arg7[%mul3A_2] : memref<16384xi32, #tpu.memory_space<hbm>> -> memref<512xi32, #tpu.memory_space<hbm>>
      tpu.wait_dma2 semaphore(%run_scoped3A : memref<!tpu.dma_semaphore, #tpu.memory_space<semaphore_mem>>) src(%dma_wait3A_28 : memref<512xi32, #tpu.memory_space<hbm>>) dst(%arg15 : memref<512xi32, #tpu.memory_space<vmem>>)
      tpu.yield
    }) : () -> ()
    "tpu.region"() ({
      %run_scoped3A = tpu.sem_alloc : memref<!tpu.dma_semaphore, #tpu.memory_space<semaphore_mem>>
      %dma_start3A_25 = tpu.memref_slice %arg8[%mul3A_2] : memref<16384xi32, #tpu.memory_space<hbm>> -> memref<512xi32, #tpu.memory_space<hbm>>
      %dma_start3A_26 = tpu.memref_slice %arg8[%mul3A_2] : memref<16384xi32, #tpu.memory_space<hbm>> -> memref<512xi32, #tpu.memory_space<hbm>>
      tpu.enqueue_dma source(%dma_start3A_26 : memref<512xi32, #tpu.memory_space<hbm>>) target(%arg16 : memref<512xi32, #tpu.memory_space<vmem>>) target_semaphore(%run_scoped3A : memref<!tpu.dma_semaphore, #tpu.memory_space<semaphore_mem>>)
      %dma_wait3A_27 = tpu.memref_slice %arg8[%mul3A_2] : memref<16384xi32, #tpu.memory_space<hbm>> -> memref<512xi32, #tpu.memory_space<hbm>>
      %dma_wait3A_28 = tpu.memref_slice %arg8[%mul3A_2] : memref<16384xi32, #tpu.memory_space<hbm>> -> memref<512xi32, #tpu.memory_space<hbm>>
      tpu.wait_dma2 semaphore(%run_scoped3A : memref<!tpu.dma_semaphore, #tpu.memory_space<semaphore_mem>>) src(%dma_wait3A_28 : memref<512xi32, #tpu.memory_space<hbm>>) dst(%arg16 : memref<512xi32, #tpu.memory_space<vmem>>)
      tpu.yield
    }) : () -> ()
    %dma_start3A = arith.constant 0 : i32
    %dma_start3A_3 = arith.constant 0 : i32
    %dma_start3A_4 = tpu.memref_slice %arg2[%dma_start3A, %dma_start3A_3] : memref<1000000x32xf32, #tpu.memory_space<hbm>> -> memref<1000000x32xf32, #tpu.memory_space<hbm>>
    tpu.enqueue_indirect_dma source(%dma_start3A_4 : memref<1000000x32xf32, #tpu.memory_space<hbm>>) target(%arg17 : memref<512x32xf32, #tpu.memory_space<vmem>>) offsets(%arg13 : memref<512xi32, #tpu.memory_space<vmem>>) semaphore(%arg21 : memref<!tpu.dma_semaphore, #tpu.memory_space<semaphore_mem>>)
    %dma_start3A_5 = arith.constant 0 : i32
    %dma_start3A_6 = arith.constant 0 : i32
    %dma_start3A_7 = tpu.memref_slice %arg3[%dma_start3A_5, %dma_start3A_6] : memref<1000000x32xf32, #tpu.memory_space<hbm>> -> memref<1000000x32xf32, #tpu.memory_space<hbm>>
    tpu.enqueue_indirect_dma source(%dma_start3A_7 : memref<1000000x32xf32, #tpu.memory_space<hbm>>) target(%arg18 : memref<512x32xf32, #tpu.memory_space<vmem>>) offsets(%arg14 : memref<512xi32, #tpu.memory_space<vmem>>) semaphore(%arg21 : memref<!tpu.dma_semaphore, #tpu.memory_space<semaphore_mem>>)
    %dma_start3A_8 = arith.constant 0 : i32
    %dma_start3A_9 = arith.constant 0 : i32
    %dma_start3A_10 = tpu.memref_slice %arg4[%dma_start3A_8, %dma_start3A_9] : memref<1000000x32xf32, #tpu.memory_space<hbm>> -> memref<1000000x32xf32, #tpu.memory_space<hbm>>
    tpu.enqueue_indirect_dma source(%dma_start3A_10 : memref<1000000x32xf32, #tpu.memory_space<hbm>>) target(%arg19 : memref<512x32xf32, #tpu.memory_space<vmem>>) offsets(%arg15 : memref<512xi32, #tpu.memory_space<vmem>>) semaphore(%arg21 : memref<!tpu.dma_semaphore, #tpu.memory_space<semaphore_mem>>)
    %dma_start3A_11 = arith.constant 0 : i32
    %dma_start3A_12 = arith.constant 0 : i32
    %dma_start3A_13 = tpu.memref_slice %arg4[%dma_start3A_11, %dma_start3A_12] : memref<1000000x32xf32, #tpu.memory_space<hbm>> -> memref<1000000x32xf32, #tpu.memory_space<hbm>>
    tpu.enqueue_indirect_dma source(%dma_start3A_13 : memref<1000000x32xf32, #tpu.memory_space<hbm>>) target(%arg20 : memref<512x32xf32, #tpu.memory_space<vmem>>) offsets(%arg16 : memref<512xi32, #tpu.memory_space<vmem>>) semaphore(%arg21 : memref<!tpu.dma_semaphore, #tpu.memory_space<semaphore_mem>>)
    %dma_wait3A = arith.constant 0 : i32
    %dma_wait3A_14 = arith.constant 0 : i32
    %dma_wait3A_15 = tpu.memref_slice %arg2[%dma_wait3A, %dma_wait3A_14] : memref<1000000x32xf32, #tpu.memory_space<hbm>> -> memref<1000000x32xf32, #tpu.memory_space<hbm>>
    tpu.wait_indirect_dma semaphore(%arg21 : memref<!tpu.dma_semaphore, #tpu.memory_space<semaphore_mem>>) src(%dma_wait3A_15 : memref<1000000x32xf32, #tpu.memory_space<hbm>>) dst(%arg17 : memref<512x32xf32, #tpu.memory_space<vmem>>)
    %dma_wait3A_16 = arith.constant 0 : i32
    %dma_wait3A_17 = arith.constant 0 : i32
    %dma_wait3A_18 = tpu.memref_slice %arg3[%dma_wait3A_16, %dma_wait3A_17] : memref<1000000x32xf32, #tpu.memory_space<hbm>> -> memref<1000000x32xf32, #tpu.memory_space<hbm>>
    tpu.wait_indirect_dma semaphore(%arg21 : memref<!tpu.dma_semaphore, #tpu.memory_space<semaphore_mem>>) src(%dma_wait3A_18 : memref<1000000x32xf32, #tpu.memory_space<hbm>>) dst(%arg18 : memref<512x32xf32, #tpu.memory_space<vmem>>)
    %dma_wait3A_19 = arith.constant 0 : i32
    %dma_wait3A_20 = arith.constant 0 : i32
    %dma_wait3A_21 = tpu.memref_slice %arg4[%dma_wait3A_19, %dma_wait3A_20] : memref<1000000x32xf32, #tpu.memory_space<hbm>> -> memref<1000000x32xf32, #tpu.memory_space<hbm>>
    tpu.wait_indirect_dma semaphore(%arg21 : memref<!tpu.dma_semaphore, #tpu.memory_space<semaphore_mem>>) src(%dma_wait3A_21 : memref<1000000x32xf32, #tpu.memory_space<hbm>>) dst(%arg19 : memref<512x32xf32, #tpu.memory_space<vmem>>)
    %dma_wait3A_22 = arith.constant 0 : i32
    %dma_wait3A_23 = arith.constant 0 : i32
    %dma_wait3A_24 = tpu.memref_slice %arg4[%dma_wait3A_22, %dma_wait3A_23] : memref<1000000x32xf32, #tpu.memory_space<hbm>> -> memref<1000000x32xf32, #tpu.memory_space<hbm>>
    tpu.wait_indirect_dma semaphore(%arg21 : memref<!tpu.dma_semaphore, #tpu.memory_space<semaphore_mem>>) src(%dma_wait3A_24 : memref<1000000x32xf32, #tpu.memory_space<hbm>>) dst(%arg20 : memref<512x32xf32, #tpu.memory_space<vmem>>)
    "tpu.region"() ({
      %run_scoped3A = tpu.sem_alloc : memref<!tpu.dma_semaphore, #tpu.memory_space<semaphore_mem>>
      %dma_start3A_25 = arith.constant 0 : i32
      %dma_start3A_26 = tpu.memref_slice %arg9[%mul3A_2, %dma_start3A_25] : memref<16384x32xf32, #tpu.memory_space<hbm>> -> memref<512x32xf32, #tpu.memory_space<hbm>>
      %dma_start3A_27 = arith.constant 0 : i32
      %dma_start3A_28 = tpu.memref_slice %arg9[%mul3A_2, %dma_start3A_27] : memref<16384x32xf32, #tpu.memory_space<hbm>> -> memref<512x32xf32, #tpu.memory_space<hbm>>
      tpu.enqueue_dma source(%arg17 : memref<512x32xf32, #tpu.memory_space<vmem>>) target(%dma_start3A_28 : memref<512x32xf32, #tpu.memory_space<hbm>>) target_semaphore(%run_scoped3A : memref<!tpu.dma_semaphore, #tpu.memory_space<semaphore_mem>>)
      %dma_wait3A_29 = arith.constant 0 : i32
      %dma_wait3A_30 = tpu.memref_slice %arg9[%mul3A_2, %dma_wait3A_29] : memref<16384x32xf32, #tpu.memory_space<hbm>> -> memref<512x32xf32, #tpu.memory_space<hbm>>
      %dma_wait3A_31 = arith.constant 0 : i32
      %dma_wait3A_32 = tpu.memref_slice %arg9[%mul3A_2, %dma_wait3A_31] : memref<16384x32xf32, #tpu.memory_space<hbm>> -> memref<512x32xf32, #tpu.memory_space<hbm>>
      tpu.wait_dma2 semaphore(%run_scoped3A : memref<!tpu.dma_semaphore, #tpu.memory_space<semaphore_mem>>) src(%arg17 : memref<512x32xf32, #tpu.memory_space<vmem>>) dst(%dma_wait3A_32 : memref<512x32xf32, #tpu.memory_space<hbm>>)
      tpu.yield
    }) : () -> ()
    "tpu.region"() ({
      %run_scoped3A = tpu.sem_alloc : memref<!tpu.dma_semaphore, #tpu.memory_space<semaphore_mem>>
      %dma_start3A_25 = arith.constant 0 : i32
      %dma_start3A_26 = tpu.memref_slice %arg10[%mul3A_2, %dma_start3A_25] : memref<16384x32xf32, #tpu.memory_space<hbm>> -> memref<512x32xf32, #tpu.memory_space<hbm>>
      %dma_start3A_27 = arith.constant 0 : i32
      %dma_start3A_28 = tpu.memref_slice %arg10[%mul3A_2, %dma_start3A_27] : memref<16384x32xf32, #tpu.memory_space<hbm>> -> memref<512x32xf32, #tpu.memory_space<hbm>>
      tpu.enqueue_dma source(%arg18 : memref<512x32xf32, #tpu.memory_space<vmem>>) target(%dma_start3A_28 : memref<512x32xf32, #tpu.memory_space<hbm>>) target_semaphore(%run_scoped3A : memref<!tpu.dma_semaphore, #tpu.memory_space<semaphore_mem>>)
      %dma_wait3A_29 = arith.constant 0 : i32
      %dma_wait3A_30 = tpu.memref_slice %arg10[%mul3A_2, %dma_wait3A_29] : memref<16384x32xf32, #tpu.memory_space<hbm>> -> memref<512x32xf32, #tpu.memory_space<hbm>>
      %dma_wait3A_31 = arith.constant 0 : i32
      %dma_wait3A_32 = tpu.memref_slice %arg10[%mul3A_2, %dma_wait3A_31] : memref<16384x32xf32, #tpu.memory_space<hbm>> -> memref<512x32xf32, #tpu.memory_space<hbm>>
      tpu.wait_dma2 semaphore(%run_scoped3A : memref<!tpu.dma_semaphore, #tpu.memory_space<semaphore_mem>>) src(%arg18 : memref<512x32xf32, #tpu.memory_space<vmem>>) dst(%dma_wait3A_32 : memref<512x32xf32, #tpu.memory_space<hbm>>)
      tpu.yield
    }) : () -> ()
    "tpu.region"() ({
      %run_scoped3A = tpu.sem_alloc : memref<!tpu.dma_semaphore, #tpu.memory_space<semaphore_mem>>
      %dma_start3A_25 = arith.constant 0 : i32
      %dma_start3A_26 = tpu.memref_slice %arg11[%mul3A_2, %dma_start3A_25] : memref<16384x32xf32, #tpu.memory_space<hbm>> -> memref<512x32xf32, #tpu.memory_space<hbm>>
      %dma_start3A_27 = arith.constant 0 : i32
      %dma_start3A_28 = tpu.memref_slice %arg11[%mul3A_2, %dma_start3A_27] : memref<16384x32xf32, #tpu.memory_space<hbm>> -> memref<512x32xf32, #tpu.memory_space<hbm>>
      tpu.enqueue_dma source(%arg19 : memref<512x32xf32, #tpu.memory_space<vmem>>) target(%dma_start3A_28 : memref<512x32xf32, #tpu.memory_space<hbm>>) target_semaphore(%run_scoped3A : memref<!tpu.dma_semaphore, #tpu.memory_space<semaphore_mem>>)
      %dma_wait3A_29 = arith.constant 0 : i32
      %dma_wait3A_30 = tpu.memref_slice %arg11[%mul3A_2, %dma_wait3A_29] : memref<16384x32xf32, #tpu.memory_space<hbm>> -> memref<512x32xf32, #tpu.memory_space<hbm>>
      %dma_wait3A_31 = arith.constant 0 : i32
      %dma_wait3A_32 = tpu.memref_slice %arg11[%mul3A_2, %dma_wait3A_31] : memref<16384x32xf32, #tpu.memory_space<hbm>> -> memref<512x32xf32, #tpu.memory_space<hbm>>
      tpu.wait_dma2 semaphore(%run_scoped3A : memref<!tpu.dma_semaphore, #tpu.memory_space<semaphore_mem>>) src(%arg19 : memref<512x32xf32, #tpu.memory_space<vmem>>) dst(%dma_wait3A_32 : memref<512x32xf32, #tpu.memory_space<hbm>>)
      tpu.yield
    }) : () -> ()
    "tpu.region"() ({
      %run_scoped3A = tpu.sem_alloc : memref<!tpu.dma_semaphore, #tpu.memory_space<semaphore_mem>>
      %dma_start3A_25 = arith.constant 0 : i32
      %dma_start3A_26 = tpu.memref_slice %arg12[%mul3A_2, %dma_start3A_25] : memref<16384x32xf32, #tpu.memory_space<hbm>> -> memref<512x32xf32, #tpu.memory_space<hbm>>
      %dma_start3A_27 = arith.constant 0 : i32
      %dma_start3A_28 = tpu.memref_slice %arg12[%mul3A_2, %dma_start3A_27] : memref<16384x32xf32, #tpu.memory_space<hbm>> -> memref<512x32xf32, #tpu.memory_space<hbm>>
      tpu.enqueue_dma source(%arg20 : memref<512x32xf32, #tpu.memory_space<vmem>>) target(%dma_start3A_28 : memref<512x32xf32, #tpu.memory_space<hbm>>) target_semaphore(%run_scoped3A : memref<!tpu.dma_semaphore, #tpu.memory_space<semaphore_mem>>)
      %dma_wait3A_29 = arith.constant 0 : i32
      %dma_wait3A_30 = tpu.memref_slice %arg12[%mul3A_2, %dma_wait3A_29] : memref<16384x32xf32, #tpu.memory_space<hbm>> -> memref<512x32xf32, #tpu.memory_space<hbm>>
      %dma_wait3A_31 = arith.constant 0 : i32
      %dma_wait3A_32 = tpu.memref_slice %arg12[%mul3A_2, %dma_wait3A_31] : memref<16384x32xf32, #tpu.memory_space<hbm>> -> memref<512x32xf32, #tpu.memory_space<hbm>>
      tpu.wait_dma2 semaphore(%run_scoped3A : memref<!tpu.dma_semaphore, #tpu.memory_space<semaphore_mem>>) src(%arg20 : memref<512x32xf32, #tpu.memory_space<vmem>>) dst(%dma_wait3A_32 : memref<512x32xf32, #tpu.memory_space<hbm>>)
      tpu.yield
    }) : () -> ()
    return
  }
}

module attributes {stable_mosaic.version = 14 : i64} {
  func.func @_tc_dense_body(%arg0: i32, %arg1: memref<2048x32xf32, #tpu.memory_space<vmem>>, %arg2: memref<2048x32xf32, #tpu.memory_space<vmem>>, %arg3: memref<2048x32xf32, #tpu.memory_space<vmem>>, %arg4: memref<2048x32xf32, #tpu.memory_space<vmem>>, %arg5: memref<32x32xf32, #tpu.memory_space<vmem>>, %arg6: memref<32x32xf32, #tpu.memory_space<vmem>>, %arg7: memref<1x32xf32, #tpu.memory_space<vmem>>, %arg8: memref<1x32xf32, #tpu.memory_space<vmem>>, %arg9: memref<2048xf32, #tpu.memory_space<vmem>>) attributes {dimension_semantics = [#tpu.dimension_semantics<arbitrary>], iteration_bounds = array<i64: 8>, scalar_prefetch = 0 : i64, scratch_operands = 0 : i64, tpu.core_type = #tpu.core_type<tc>, window_params = [{transform_indices = @transform_0, window_bounds = array<i64: 2048, 32>}, {transform_indices = @transform_1, window_bounds = array<i64: 2048, 32>}, {transform_indices = @transform_2, window_bounds = array<i64: 2048, 32>}, {transform_indices = @transform_3, window_bounds = array<i64: 2048, 32>}, {pipeline_mode = #tpu.pipeline_mode<synchronous>, transform_indices = @transform_4, window_bounds = array<i64: 32, 32>}, {pipeline_mode = #tpu.pipeline_mode<synchronous>, transform_indices = @transform_5, window_bounds = array<i64: 32, 32>}, {pipeline_mode = #tpu.pipeline_mode<synchronous>, transform_indices = @transform_6, window_bounds = array<i64: 1, 32>}, {pipeline_mode = #tpu.pipeline_mode<synchronous>, transform_indices = @transform_7, window_bounds = array<i64: 1, 32>}, {transform_indices = @transform_8, window_bounds = array<i64: 2048>}]} {
    %get3A = arith.constant 0 : index
    %get3A_0 = arith.constant 0 : index
    %get3A_1 = vector.load %arg3[%get3A, %get3A_0] : memref<2048x32xf32, #tpu.memory_space<vmem>>, vector<2048x32xf32>
    %get3A_2 = arith.constant 0 : index
    %get3A_3 = arith.constant 0 : index
    %get3A_4 = vector.load %arg4[%get3A_2, %get3A_3] : memref<2048x32xf32, #tpu.memory_space<vmem>>, vector<2048x32xf32>
    %get3A_5 = arith.constant 0 : index
    %get3A_6 = arith.constant 0 : index
    %get3A_7 = vector.load %arg5[%get3A_5, %get3A_6] : memref<32x32xf32, #tpu.memory_space<vmem>>, vector<32x32xf32>
    %get3A_8 = arith.constant 0 : index
    %get3A_9 = arith.constant 0 : index
    %get3A_10 = vector.load %arg6[%get3A_8, %get3A_9] : memref<32x32xf32, #tpu.memory_space<vmem>>, vector<32x32xf32>
    %dot_general3A = arith.constant dense<0.000000e+00> : vector<2048x32xf32>
    %dot_general3A_11 = tpu.matmul %get3A_1, %get3A_7, %dot_general3A {dimension_numbers = #tpu.dot_dimension_numbers<[1], [0], [0], [1], [0, 0, 1, 1], [], []>, transpose_lhs_hint = false} : vector<2048x32xf32>, vector<32x32xf32>, vector<2048x32xf32> -> vector<2048x32xf32>
    %get3A_12 = arith.constant 0 : index
    %get3A_13 = arith.constant 0 : index
    %get3A_14 = vector.load %arg7[%get3A_12, %get3A_13] : memref<1x32xf32, #tpu.memory_space<vmem>>, vector<1x32xf32>
    %add3A = vector.broadcast %get3A_14 : vector<1x32xf32> to vector<2048x32xf32>
    %add3A_15 = arith.addf %dot_general3A_11, %add3A : vector<2048x32xf32>
    %logistic3A = arith.negf %add3A_15 : vector<2048x32xf32>
    %logistic3A_16 = math.exp %logistic3A : vector<2048x32xf32>
    %logistic3A_17 = arith.constant 1.000000e+00 : f32
    %logistic3A_18 = vector.broadcast %logistic3A_17 : f32 to vector<2048x32xf32>
    %logistic3A_19 = arith.addf %logistic3A_18, %logistic3A_16 : vector<2048x32xf32>
    %logistic3A_20 = arith.divf %logistic3A_18, %logistic3A_19 : vector<2048x32xf32>
    %dot_general3A_21 = arith.constant dense<0.000000e+00> : vector<2048x32xf32>
    %dot_general3A_22 = tpu.matmul %get3A_1, %get3A_10, %dot_general3A_21 {dimension_numbers = #tpu.dot_dimension_numbers<[1], [0], [0], [1], [0, 0, 1, 1], [], []>, transpose_lhs_hint = false} : vector<2048x32xf32>, vector<32x32xf32>, vector<2048x32xf32> -> vector<2048x32xf32>
    %get3A_23 = arith.constant 0 : index
    %get3A_24 = arith.constant 0 : index
    %get3A_25 = vector.load %arg8[%get3A_23, %get3A_24] : memref<1x32xf32, #tpu.memory_space<vmem>>, vector<1x32xf32>
    %add3A_26 = vector.broadcast %get3A_25 : vector<1x32xf32> to vector<2048x32xf32>
    %add3A_27 = arith.addf %dot_general3A_22, %add3A_26 : vector<2048x32xf32>
    %logistic3A_28 = arith.negf %add3A_27 : vector<2048x32xf32>
    %logistic3A_29 = math.exp %logistic3A_28 : vector<2048x32xf32>
    %logistic3A_30 = arith.constant 1.000000e+00 : f32
    %logistic3A_31 = vector.broadcast %logistic3A_30 : f32 to vector<2048x32xf32>
    %logistic3A_32 = arith.addf %logistic3A_31, %logistic3A_29 : vector<2048x32xf32>
    %logistic3A_33 = arith.divf %logistic3A_31, %logistic3A_32 : vector<2048x32xf32>
    %dot_general3A_34 = arith.constant dense<0.000000e+00> : vector<2048x32xf32>
    %dot_general3A_35 = tpu.matmul %get3A_4, %get3A_7, %dot_general3A_34 {dimension_numbers = #tpu.dot_dimension_numbers<[1], [0], [0], [1], [0, 0, 1, 1], [], []>, transpose_lhs_hint = false} : vector<2048x32xf32>, vector<32x32xf32>, vector<2048x32xf32> -> vector<2048x32xf32>
    %get3A_36 = arith.constant 0 : index
    %get3A_37 = arith.constant 0 : index
    %get3A_38 = vector.load %arg7[%get3A_36, %get3A_37] : memref<1x32xf32, #tpu.memory_space<vmem>>, vector<1x32xf32>
    %add3A_39 = vector.broadcast %get3A_38 : vector<1x32xf32> to vector<2048x32xf32>
    %add3A_40 = arith.addf %dot_general3A_35, %add3A_39 : vector<2048x32xf32>
    %logistic3A_41 = arith.negf %add3A_40 : vector<2048x32xf32>
    %logistic3A_42 = math.exp %logistic3A_41 : vector<2048x32xf32>
    %logistic3A_43 = arith.constant 1.000000e+00 : f32
    %logistic3A_44 = vector.broadcast %logistic3A_43 : f32 to vector<2048x32xf32>
    %logistic3A_45 = arith.addf %logistic3A_44, %logistic3A_42 : vector<2048x32xf32>
    %logistic3A_46 = arith.divf %logistic3A_44, %logistic3A_45 : vector<2048x32xf32>
    %dot_general3A_47 = arith.constant dense<0.000000e+00> : vector<2048x32xf32>
    %dot_general3A_48 = tpu.matmul %get3A_4, %get3A_10, %dot_general3A_47 {dimension_numbers = #tpu.dot_dimension_numbers<[1], [0], [0], [1], [0, 0, 1, 1], [], []>, transpose_lhs_hint = false} : vector<2048x32xf32>, vector<32x32xf32>, vector<2048x32xf32> -> vector<2048x32xf32>
    %get3A_49 = arith.constant 0 : index
    %get3A_50 = arith.constant 0 : index
    %get3A_51 = vector.load %arg8[%get3A_49, %get3A_50] : memref<1x32xf32, #tpu.memory_space<vmem>>, vector<1x32xf32>
    %add3A_52 = vector.broadcast %get3A_51 : vector<1x32xf32> to vector<2048x32xf32>
    %add3A_53 = arith.addf %dot_general3A_48, %add3A_52 : vector<2048x32xf32>
    %logistic3A_54 = arith.negf %add3A_53 : vector<2048x32xf32>
    %logistic3A_55 = math.exp %logistic3A_54 : vector<2048x32xf32>
    %logistic3A_56 = arith.constant 1.000000e+00 : f32
    %logistic3A_57 = vector.broadcast %logistic3A_56 : f32 to vector<2048x32xf32>
    %logistic3A_58 = arith.addf %logistic3A_57, %logistic3A_55 : vector<2048x32xf32>
    %logistic3A_59 = arith.divf %logistic3A_57, %logistic3A_58 : vector<2048x32xf32>
    %get3A_60 = arith.constant 0 : index
    %get3A_61 = arith.constant 0 : index
    %get3A_62 = vector.load %arg1[%get3A_60, %get3A_61] : memref<2048x32xf32, #tpu.memory_space<vmem>>, vector<2048x32xf32>
    %sub3A = arith.subf %logistic3A_20, %logistic3A_46 : vector<2048x32xf32>
    %mul3A = arith.mulf %get3A_62, %sub3A : vector<2048x32xf32>
    %get3A_63 = arith.constant 0 : index
    %get3A_64 = arith.constant 0 : index
    %get3A_65 = vector.load %arg2[%get3A_63, %get3A_64] : memref<2048x32xf32, #tpu.memory_space<vmem>>, vector<2048x32xf32>
    %sub3A_66 = arith.subf %logistic3A_33, %logistic3A_59 : vector<2048x32xf32>
    %mul3A_67 = arith.mulf %get3A_65, %sub3A_66 : vector<2048x32xf32>
    %add3A_68 = arith.addf %mul3A, %mul3A_67 : vector<2048x32xf32>
    %reduce_sum3A = arith.constant dense<0.000000e+00> : vector<2048xf32>
    %reduce_sum3A_69 = vector.multi_reduction <add>, %add3A_68, %reduce_sum3A [1] : vector<2048x32xf32> to vector<2048xf32>
    %swap3A = arith.constant 0 : index
    %swap3A_70 = vector.load %arg9[%swap3A] : memref<2048xf32, #tpu.memory_space<vmem>>, vector<2048xf32>
    tpu.vector_store %arg9[%swap3A], %reduce_sum3A_69 {strides = array<i32>} : memref<2048xf32, #tpu.memory_space<vmem>>, vector<2048xf32>,
    return
  }
  func.func @transform_0(%arg0: i32) -> (i32, i32) {
    %c0_i32 = arith.constant 0 : i32
    %c0_i32_0 = arith.constant 0 : i32
    return %arg0, %c0_i32 : i32, i32
  }
  func.func @transform_1(%arg0: i32) -> (i32, i32) {
    %c0_i32 = arith.constant 0 : i32
    %c0_i32_0 = arith.constant 0 : i32
    return %arg0, %c0_i32 : i32, i32
  }
  func.func @transform_2(%arg0: i32) -> (i32, i32) {
    %c0_i32 = arith.constant 0 : i32
    %c0_i32_0 = arith.constant 0 : i32
    return %arg0, %c0_i32 : i32, i32
  }
  func.func @transform_3(%arg0: i32) -> (i32, i32) {
    %c0_i32 = arith.constant 0 : i32
    %c0_i32_0 = arith.constant 0 : i32
    return %arg0, %c0_i32 : i32, i32
  }
  func.func @transform_4(%arg0: i32) -> (i32, i32) {
    %c0_i32 = arith.constant 0 : i32
    %c0_i32_0 = arith.constant 0 : i32
    %c0_i32_1 = arith.constant 0 : i32
    return %c0_i32, %c0_i32_0 : i32, i32
  }
  func.func @transform_5(%arg0: i32) -> (i32, i32) {
    %c0_i32 = arith.constant 0 : i32
    %c0_i32_0 = arith.constant 0 : i32
    %c0_i32_1 = arith.constant 0 : i32
    return %c0_i32, %c0_i32_0 : i32, i32
  }
  func.func @transform_6(%arg0: i32) -> (i32, i32) {
    %c0_i32 = arith.constant 0 : i32
    %c0_i32_0 = arith.constant 0 : i32
    %c0_i32_1 = arith.constant 0 : i32
    return %c0_i32, %c0_i32_0 : i32, i32
  }
  func.func @transform_7(%arg0: i32) -> (i32, i32) {
    %c0_i32 = arith.constant 0 : i32
    %c0_i32_0 = arith.constant 0 : i32
    %c0_i32_1 = arith.constant 0 : i32
    return %c0_i32, %c0_i32_0 : i32, i32
  }
  func.func @transform_8(%arg0: i32) -> i32 {
    %c0_i32 = arith.constant 0 : i32
    return %arg0 : i32
  }
}

</mosaic_0001>

<sc_bundles>
// kernel: kernel.4.cloned.1.call-start
scs
__scs_entry_jumppad:
0x0: {  	(pc) =	sbr.rel $0x88, $3  }
0x1: {  	(tag) =	ssettag $0x0;
	lr =	simm.s32 $0x1  }
0x2: {  	[smem:$0x3F99] =	sst lr;
	_ =	strace $0xD0000000  }
0x3: {  	_ = 	snop  }
0x4: {  	_ = 	snop  }
0x5: {  	_ = 	snop  }
0x6: {  	_ = 	snop  }
0x7: {  	_ = 	snop  }
__scs_overlays_trampoline_lowered:
0x8: {  	[smem:$0x3FA8] =	sst s0  }
0x9: {  	[smem:$0x3FA9] =	sst s1  }
0xa: {  	[smem:$0x3FAA] =	sst s2  }
0xb: {  	[smem:$0x3FAB] =	sst s3  }
0xc: {  	[smem:$0x3FAC] =	sst s4  }
0xd: {  	[smem:$0x3FAD] =	sst s5  }
0xe: {  	[smem:$0x3FAE] =	sst s6  }
0xf: {  	[smem:$0x3FAF] =	sst s7  }
0x10: {  	[smem:$0x3FB0] =	sst s8  }
0x11: {  	[smem:$0x3FB1] =	sst s9;
	s0 =	simm.s32 @!p0 $0x0  }
0x12: {  	s1 =	sld [smem:$0x3F97];
	s0 =	simm.s32 @p0 $0x1  }
0x13: {  	[smem:$0x3FB2] =	sst s0;
	s0 =	simm.s32 @!p1 $0x0  }
0x14: {  	s2 =	sld [smem:$0x3F96];
	s0 =	simm.s32 @p1 $0x1  }
0x15: {  	[smem:$0x3FB3] =	sst s0;
	s0 =	simm.s32 @!p2 $0x0  }
0x16: {  	s3 =	sld [smem:$0x3FDB];
	s0 =	simm.s32 @p2 $0x1  }
0x17: {  	s4 =	simm.s32 $0x1BF5;
	[smem:$0x3FB5] =	sst s0  }
0x18: {  	s0 =	sld [smem:$0x3F98];
	_ =	swait.ge [sflag:s4], $0x0  }
0x19: {  	s7 =	sld [smem:$0x3F99]  }
0x1a: {  	s8 =	sadd.s32 $0xFFFFE003, lr  }
0x1b: {  	s9 =	sadd.s32 $0xFFFFFEF7, lr;
	s5 =	simm.s32 $0xFFFFFFFF;
	p2 =	slt.u32 s8, $0xFFFFF086  }
0x1c: {  	p1 =	slt.u32 s9, $0xF7A;
	s5 =	simm.s32 @!p2 $0x0  }
0x1d: {  	s5 =	simm.s32 @p1 $0x1;
	p0 =	seq.s32 s7, s2  }
0x1e: {  	s7 =	smul.u32 @!p0 $0xF7A, s2;
	p2 =	seq.s32 @!p0 s5, $0x0  }
0x1f: {  	s9 =	smul.u32 $0xF7A, s1;
	s8 =	simm.s32 @!p0 $0x1BF5;
	p2 =	por !p2, p0  }
0x20: {  	[sflag:s8] =	ssyncset.s32 @!p0 $0xFFFFF086;
	s6 =	sadd.s32 @!p0 s3, s7;
	s7 =	simm.s32 @!p0 $0x108  }
0x21: {  	s3 =	sadd.s32 s3, s9;
	s6 =	sadd.s32 @!p0 $0x88, s6;
	s7 =	simm.s32 @p2 $0x1082  }
0x22: {  	[simem:s7], [sflag:s8] =	dma.local @!p0 [hbm:s6], $0xF7A  }
0x23: {  	s9 =	sor.u32 $0xD0000000, s2;
	s6 =	simm.s32 $0x108;
	_ =	swait.ge @!p0 [sflag:s8], $0x0  }
0x24: {  	s3 =	sadd.s32 $0x88, s3;
	s6 =	simm.s32 @!p1 $0x1082;
	[sflag:s4] =	ssyncset.s32 $0xFFFFF086  }
0x25: {  	[simem:s6], [sflag:s4] =	dma.local [hbm:s3], $0xF7A  }
0x26: {  	[smem:$0x3F99] =	sst s1;
	(tag) =	ssettag s2;
	_ =	strace s9  }
0x27: {  	s1 =	sld [smem:$0x3FA9]  }
0x28: {  	s2 =	sld [smem:$0x3FAA]  }
0x29: {  	s4 =	sld [smem:$0x3FAC]  }
0x2a: {  	p0 =	seq.s32 s5, $0x0;
	s5 =	sld [smem:$0x3FAD]  }
0x2b: {  	s6 =	sld [smem:$0x3FAE]  }
0x2c: {  	s7 =	sld [smem:$0x3FAF]  }
0x2d: {  	s3 =	simm.s32 $0x108;
	s8 =	sld [smem:$0x3FB0]  }
0x2e: {  	s3 =	simm.s32 @!p0 $0x1082;
	s9 =	sld [smem:$0x3FB1]  }
0x2f: {  	lr =	sadd.s32 s0, s3;
	s0 =	sld [smem:$0x3FA8]  }
0x30: {  	s3 =	sld [smem:$0x3FAB]  }
0x31: {  	[smem:$0x3FB4] =	sst s10  }
0x32: {  	s10 =	sld [smem:$0x3FB2];
	_ =	sdelay $0x3  }
0x33: {  	p0 =	seq.s32 s10, $0x1;
	s10 =	sld [smem:$0x3FB4];
	_ =	sdelay $0x3  }
0x34: {  	[smem:$0x3FB4] =	sst s10  }
0x35: {  	s10 =	sld [smem:$0x3FB3];
	_ =	sdelay $0x3  }
0x36: {  	p1 =	seq.s32 s10, $0x1;
	s10 =	sld [smem:$0x3FB4];
	_ =	sdelay $0x3  }
0x37: {  	[smem:$0x3FB4] =	sst s10  }
0x38: {  	s10 =	sld [smem:$0x3FB5]  }
0x39: {  	_ = 	snop;
	(pc) =	sbr.ind lr, $3  }
0x3a: {  	_ = 	snop  }
0x3b: {  	_ = 	snop  }
0x3c: {  	p2 =	seq.s32 s10, $0x1;
	s10 =	sld [smem:$0x3FB4]  }
0x3d: {  	_ =	shalt  }
0x3e: {  	_ =	shalt  }
0x3f: {  	_ =	shalt  }
0x40: {  	_ =	shalt  }
0x41: {  	_ =	shalt  }
0x42: {  	_ =	shalt  }
0x43: {  	_ =	shalt  }
0x44: {  	_ =	shalt  }
0x45: {  	_ =	shalt  }
0x46: {  	_ =	shalt  }
0x47: {  	_ =	shalt  }
0x48: {  	_ =	shalt  }
0x49: {  	_ =	shalt  }
0x4a: {  	_ =	shalt  }
0x4b: {  	_ =	shalt  }
0x4c: {  	_ =	shalt  }
0x4d: {  	_ =	shalt  }
0x4e: {  	_ =	shalt  }
0x4f: {  	_ =	shalt  }
0x50: {  	_ =	shalt  }
0x51: {  	_ =	shalt  }
0x52: {  	_ =	shalt  }
0x53: {  	_ =	shalt  }
0x54: {  	_ =	shalt  }
0x55: {  	_ =	shalt  }
0x56: {  	_ =	shalt  }
0x57: {  	_ =	shalt  }
0x58: {  	_ =	shalt  }
0x59: {  	_ =	shalt  }
0x5a: {  	_ =	shalt  }
0x5b: {  	_ =	shalt  }
0x5c: {  	_ =	shalt  }
0x5d: {  	_ =	shalt  }
0x5e: {  	_ =	shalt  }
0x5f: {  	_ =	shalt  }
0x60: {  	_ =	shalt  }
0x61: {  	_ =	shalt  }
0x62: {  	_ =	shalt  }
0x63: {  	_ =	shalt  }
0x64: {  	_ =	shalt  }
0x65: {  	_ =	shalt  }
0x66: {  	_ =	shalt  }
0x67: {  	_ =	shalt  }
0x68: {  	_ =	shalt  }
0x69: {  	_ =	shalt  }
0x6a: {  	_ =	shalt  }
0x6b: {  	_ =	shalt  }
0x6c: {  	_ =	shalt  }
0x6d: {  	_ =	shalt  }
0x6e: {  	_ =	shalt  }
0x6f: {  	_ =	shalt  }
0x70: {  	_ =	shalt  }
0x71: {  	_ =	shalt  }
0x72: {  	_ =	shalt  }
0x73: {  	_ =	shalt  }
0x74: {  	_ =	shalt  }
0x75: {  	_ =	shalt  }
0x76: {  	_ =	shalt  }
0x77: {  	_ =	shalt  }
0x78: {  	_ =	shalt  }
0x79: {  	_ =	shalt  }
0x7a: {  	_ =	shalt  }
0x7b: {  	_ =	shalt  }
0x7c: {  	_ =	shalt  }
0x7d: {  	_ =	shalt  }
0x7e: {  	_ =	shalt  }
0x7f: {  	_ =	shalt  }
0x80: {  	_ =	shalt  }
0x81: {  	_ =	shalt  }
0x82: {  	_ =	shalt  }
0x83: {  	_ =	shalt  }
0x84: {  	_ =	shalt  }
0x85: {  	_ =	shalt  }
0x86: {  	_ =	shalt  }
0x87: {  	_ =	shalt  }
.Lfunc_end0:
.L_simem_size_0:
called_computation_lowered:
.L_overlay_start_0:
0x88: {  	s2 =	sld [smem:$0x3FD9]  }
0x89: {  	s3 =	sld [smem:$0x3FFE];
	_ =	sdelay $0x1  }
0x8a: {  	s1 =	srdreg.scid  }
0x8b: {  	s0 =	sand.u32 $0x1, s1  }
0x8c: {  	s17 =	sshll.u32 s0, $0xA;
	s2 =	sadd.s32 s3, s2  }
0x8d: {  	s2 =	sadd.s32 s2, s17  }
0x8e: {  	[smem:$0x3FC0] =	sst s2  }
0x8f: {  	_ = 	snop  }
0x90: {  	s2 =	sld [smem:$0x3FD0];
	(tm) =	ssettm $0x1  }
0x91: {  	s18 =	sld [smem:$0x3FFB];
	_ =	sdelay $0x3  }
0x92: {  	_ =	strace s18  }
0x93: {  	s3 =	sld [smem:$0x3FFC];
	_ =	sdelay $0x3  }
0x94: {  	_ =	strace s3  }
0x95: {  	s3 =	sld [smem:$0x3FFD];
	_ =	sdelay $0x3  }
0x96: {  	_ =	strace s3  }
0x97: {  	_ =	strace $0x8FFFFFFF  }
0x98: {  	s19 =	sld [smem:$0x3FDB];
	_ =	sdelay $0x1  }
0x99: {  	s4 =	simm.s32 $_scs_section_size  }
0x9a: {  	s5 =	simm.s32 $_size__tile_overlayer_lowered;
	s6 =	simm.s32 $_tile_overlayer_lowered  }
0x9b: {  	s22 =	simm.s32 $0x1BFF;
	s21 =	sshll.u32 s6, $0x1;
	s3 =	sadd.s32 s4, s19  }
0x9c: {  	s7 =	simm.s32 $0x0;
	s20 =	sshll.u32 s5, $0x1;
	s5 =	sadd.s32 s21, s3  }
0x9d: {  	[timem:s7], [sflag:s22] =	dma.local [hbm:s5], s20  }
0x9e: {  	_ =	swait.ge [sflag:s22], s20  }
0x9f: {  	s4 =	ssub.s32 $0x0, s20;
	[sflag:s22] =	ssyncset.done $0x0  }
0xa0: {  	[sflag:s22] =	ssyncadd.s32 s4;
	_ =	sdelay $0x1  }
0xa1: {  	s23 =	simm.s32 $0x1B8B  }
0xa2: {  	_ =	swait.ge [sflag:s23], $0x1  }
0xa3: {  	[sflag:s23] =	ssyncset.done $0x0  }
0xa4: {  	s25 =	simm.s32 $0x1B8E;
	s24 =	sld [smem:$0x3FFE];
	[sflag:s23] =	ssyncadd.s32 $0xFFFFFFFF  }
0xa5: {  	s26 =	simm.s32 $execute0_lowered;
	[smem:$0x3FD2] =	sst s25  }
0xa6: {  	s5 =	sshll.u32 s26, $0x1;
	_ =	strace $0x80000046;
	[dreg:$0x1] =	wrdreg $0xFFFFFFFF  }
0xa7: {  	s28 =	simm.s32 $_size_execute0_lowered;
	s3 =	sadd.s32 s3, s5;
	[dreg:$0x0] =	wrdreg $0x0  }
0xa8: {  	s5 =	sshll.u32 s28, $0x1;
	[dreg:$0x2] =	wrdreg s3  }
0xa9: {  	[dreg:$0x3] =	wrdreg s5  }
0xaa: {  	[dreg:$0x4] =	wrdreg $0xC0  }
0xab: {  	_ =	task [dreg:s7], $0x5FFFF  }
0xac: {  	[dreg:$0x1] =	wrdreg $0xFFFFFFFF  }
0xad: {  	[dreg:$0x0] =	wrdreg $0x60  }
0xae: {  	[dreg:$0x2] =	wrdreg s24  }
0xaf: {  	[dreg:$0x3] =	wrdreg s2  }
0xb0: {  	[dreg:$0x4] =	wrdreg $0x9  }
0xb1: {  	_ =	task.clear_ibuf [dreg:s7], $0x5FFFF;
	_ =	strace $0x90000046  }
0xb2: {  	s29 =	simm.s32 $0x9;
	_ =	strace $0x80000048  }
0xb3: {  	_ =	swait.ge [sflag:s29], $0x1  }
0xb4: {  	[sflag:s29] =	ssyncadd.s32 $0xFFFFFFFF  }
0xb5: {  	_ =	strace $0x90000048  }
0xb6: {  	_ =	sfence  }
0xb7: {  	s30 =	sld [smem:$0x0];
	_ =	sdelay $0x2  }
0xb8: {  	s31 =	sshll.u32 s1, $0xD;
	s1 =	sshrl.u32 s1, $0x2  }
0xb9: {  	s3 =	sand.u32 $0x4000, s31;
	s1 =	sadd.s32 s1, s30  }
0xba: {  	s0 =	sor.u32 s3, s0;
	s1 =	sshll.u32 s1, $0x11  }
0xbb: {  	s0 =	sor.u32 s1, s0  }
0xbc: {  	s0 =	sadd.s32 $0x8F2B, s0  }
0xbd: {  	[sflag:s0] =	ssyncadd.remote.s32 $0x1  }
0xbe: {  	_ =	sfence.sel $0xFFFF  }
0xbf: {  	[dreg:$0x0] =	wrdreg $0xFFFFFFFF;
	(pc) =	sbr.abs _section_cstart, $3  }
0xc0: {  	[dreg:$0x1] =	wrdreg $0xFFFFFFFF  }
0xc1: {  	_ =	task.clear_ibuf [dreg:s7], $0x2FFFF;
	_ =	strace $0x9FFFFFFF  }
0xc2: {  	(tm) =	ssettm $0x7FFFFFFF  }
0xc3: {  	_ =	shalt  }
tec
execute0_lowered:
.L_overlay_start_1:
0x0: {  	(tag) =	ssettag $0x1  }
0x1: {  	s1 =	srdreg.scid  }
0x2: {  	s0 =	stileid.u32;
	s21 =	sand.u32 $0x1, s1  }
0x3: {  	s31 =	sshll.u32 s0, $0xA;
	s2 =	sshll.u32 s21, $0x9  }
0x4: {  	s19 =	rddreg [dreg:$0x0];
	s20 =	sor.u32 s2, s31  }
0x5: {  	s9 =	rddreg [dreg:$0x1];
	s2 =	simm.s32 $0x0;
	s10 =	sshrl.u32 s20, $0x3  }
0x6: {  	s3 =	simm.s32 $0x2;
	[smem:$0x7FF] =	sst s2;
	s7 =	sadd.s32 s10, s19  }
0x7: {  	s1 =	rddreg [dreg:$0x2];
	_ =	strace $0x80000047;
	s4 =	sadd.s32 $0x2400, s7  }
0x8: {  	[tilespmem:s2], [sflag:$0x2] =	stream.linear.gather [hbm4b:s4+s2], $0x200, $0x38;
	[tilespmem:$0x10800] =	vst v63  }
0x9: {  	_ =	swait.ge [sflag:s3], $0x200  }
0xa: {  	[sflag:s3] =	ssyncset.done $0x0  }
0xb: {  	s6 =	simm.s32 $0x200;
	s5 =	sadd.s32 $0x1C00, s7;
	[sflag:s3] =	ssyncadd.s32 $0xFFFFFE00  }
0xc: {  	[tilespmem:s6], [sflag:$0x2] =	stream.linear.gather [hbm4b:s5+s2], $0x200, $0x38;
	[tilespmem:$0x10800] =	vst v63  }
0xd: {  	_ =	swait.ge [sflag:s3], $0x200  }
0xe: {  	[sflag:s3] =	ssyncset.done $0x0  }
0xf: {  	s8 =	simm.s32 $0x400;
	s7 =	sadd.s32 $0x1400, s7;
	[sflag:s3] =	ssyncadd.s32 $0xFFFFFE00  }
0x10: {  	[tilespmem:s8], [sflag:$0x2] =	stream.linear.gather [hbm4b:s7+s2], $0x200, $0x38;
	[tilespmem:$0x10800] =	vst v63  }
0x11: {  	_ =	swait.ge [sflag:s3], $0x200  }
0x12: {  	[sflag:s3] =	ssyncset.done $0x0  }
0x13: {  	s9 =	sadd.s32 s9, s10;
	s10 =	simm.s32 $0x600;
	[sflag:s3] =	ssyncadd.s32 $0xFFFFFE00  }
0x14: {  	[tilespmem:s10], [sflag:$0x2] =	stream.linear.gather [hbm4b:s9+s2], $0x200, $0x38;
	[tilespmem:$0x10800] =	vst v63  }
0x15: {  	_ =	swait.ge [sflag:s3], $0x200  }
0x16: {  	[sflag:s3] =	ssyncset.done $0x0  }
0x17: {  	s12 =	simm.s32 $0x800;
	s11 =	sadd.s32 $0xF43800, s19;
	[sflag:s3] =	ssyncadd.s32 $0xFFFFFE00  }
0x18: {  	[tilespmem:s12], [sflag:$0x1] =	stream.indirect.gather [hbm4b:s11+s6], $0x20, s2, s6, $0xb8;
	[tilespmem:$0x10800] =	vst v63  }
0x19: {  	s14 =	simm.s32 $0x4800;
	s13 =	sadd.s32 $0x1314200, s19  }
0x1a: {  	[tilespmem:s14], [sflag:$0x1] =	stream.indirect.gather [hbm4b:s13+s6], $0x20, s6, s6, $0xb8;
	[tilespmem:$0x10800] =	vst v63  }
0x1b: {  	s16 =	simm.s32 $0x8800;
	s15 =	sadd.s32 $0x16E4C00, s19  }
0x1c: {  	[tilespmem:s16], [sflag:$0x1] =	stream.indirect.gather [hbm4b:s15+s6], $0x20, s8, s6, $0xb8;
	[tilespmem:$0x10800] =	vst v63  }
0x1d: {  	s17 =	simm.s32 $0xC800;
	s18 =	simm.s32 $0x1  }
0x1e: {  	[tilespmem:s17], [sflag:$0x1] =	stream.indirect.gather [hbm4b:s15+s6], $0x20, s10, s6, $0xb8;
	[tilespmem:$0x10800] =	vst v63  }
0x1f: {  	_ =	swait.ge [sflag:s18], $0x4000  }
0x20: {  	[sflag:s18] =	ssyncset.done $0x0  }
0x21: {  	[sflag:s18] =	ssyncadd.s32 $0xFFFFC000  }
0x22: {  	_ =	swait.ge [sflag:s18], $0x4000  }
0x23: {  	[sflag:s18] =	ssyncset.done $0x0  }
0x24: {  	[sflag:s18] =	ssyncadd.s32 $0xFFFFC000  }
0x25: {  	_ =	swait.ge [sflag:s18], $0x4000  }
0x26: {  	[sflag:s18] =	ssyncset.done $0x0  }
0x27: {  	[sflag:s18] =	ssyncadd.s32 $0xFFFFC000  }
0x28: {  	s20 =	sshll.u32 s20, $0x2;
	_ =	swait.ge [sflag:s18], $0x4000  }
0x29: {  	s22 =	sadd.s32 s20, s19;
	[sflag:s18] =	ssyncset.done $0x0  }
0x2a: {  	s19 =	sadd.s32 $0x2C00, s22;
	[sflag:s18] =	ssyncadd.s32 $0xFFFFC000  }
0x2b: {  	[hbm4b:s19+s2] =	stream.linear.scatter [tilespmem:s12], [sflag:$0x2], $0x4000, $0x38;
	[tilespmem:$0x10800] =	vst v63  }
0x2c: {  	_ =	swait.ge [sflag:s3], $0x4000  }
0x2d: {  	[sflag:s3] =	ssyncset.done $0x0  }
0x2e: {  	s23 =	ssub.s32 $0x2, s21;
	s20 =	sadd.s32 $0x12C00, s22;
	[sflag:s3] =	ssyncadd.s32 $0xFFFFC000  }
0x2f: {  	[hbm4b:s20+s2] =	stream.linear.scatter [tilespmem:s14], [sflag:$0x2], $0x4000, $0x38;
	[tilespmem:$0x10800] =	vst v63  }
0x30: {  	s24 =	sshrl.u32 s23, $0x1;
	_ =	swait.ge [sflag:s3], $0x4000  }
0x31: {  	s23 =	ssub.s32 s23, s24;
	[sflag:s3] =	ssyncset.done $0x0  }
0x32: {  	s23 =	smax.u32 s23, $0x1;
	s21 =	sadd.s32 $0x22C00, s22;
	[sflag:s3] =	ssyncadd.s32 $0xFFFFC000  }
0x33: {  	[hbm4b:s21+s2] =	stream.linear.scatter [tilespmem:s16], [sflag:$0x2], $0x4000, $0x38;
	[tilespmem:$0x10800] =	vst v63  }
0x34: {  	p0 =	sne.s32 s23, $0x1;
	_ =	swait.ge [sflag:s3], $0x4000  }
.Ltmp0:
0x35: {  	[sflag:s3] =	ssyncset.done $0x0;
	(pc) =	sbr.rel @!p0 .LBB2_2-.Ltmp0, $4  }
0x36: {  	s22 =	sadd.s32 $0x32C00, s22;
	[sflag:s3] =	ssyncadd.s32 $0xFFFFC000  }
0x37: {  	[hbm4b:s22+s2] =	stream.linear.scatter [tilespmem:s17], [sflag:$0x2], $0x4000, $0x38;
	[tilespmem:$0x10800] =	vst v63  }
0x38: {  	_ =	swait.ge [sflag:s3], $0x4000  }
0x39: {  	s23 =	sadd.s32 $0xFFFFFFFF, s23;
	[sflag:s3] =	ssyncset.done $0x0  }
.LBB2_1:
0x3a: {  	p0 =	sne.s32 s23, $0x1;
	s23 =	sadd.s32 $0xFFFFFFFF, s23;
	[sflag:s3] =	ssyncadd.s32 $0xFFFFC000  }
0x3b: {  	[tilespmem:s2], [sflag:$0x2] =	stream.linear.gather [hbm4b:s4+s2], $0x200, $0x38;
	[tilespmem:$0x10800] =	vst v63  }
0x3c: {  	_ =	swait.ge [sflag:s3], $0x200  }
0x3d: {  	[sflag:s3] =	ssyncset.done $0x0  }
0x3e: {  	[sflag:s3] =	ssyncadd.s32 $0xFFFFFE00  }
0x3f: {  	[tilespmem:s6], [sflag:$0x2] =	stream.linear.gather [hbm4b:s5+s2], $0x200, $0x38;
	[tilespmem:$0x10800] =	vst v63  }
0x40: {  	_ =	swait.ge [sflag:s3], $0x200  }
0x41: {  	[sflag:s3] =	ssyncset.done $0x0  }
0x42: {  	[sflag:s3] =	ssyncadd.s32 $0xFFFFFE00  }
0x43: {  	[tilespmem:s8], [sflag:$0x2] =	stream.linear.gather [hbm4b:s7+s2], $0x200, $0x38;
	[tilespmem:$0x10800] =	vst v63  }
0x44: {  	_ =	swait.ge [sflag:s3], $0x200  }
0x45: {  	[sflag:s3] =	ssyncset.done $0x0  }
0x46: {  	[sflag:s3] =	ssyncadd.s32 $0xFFFFFE00  }
0x47: {  	[tilespmem:s10], [sflag:$0x2] =	stream.linear.gather [hbm4b:s9+s2], $0x200, $0x38;
	[tilespmem:$0x10800] =	vst v63  }
0x48: {  	_ =	swait.ge [sflag:s3], $0x200  }
0x49: {  	[sflag:s3] =	ssyncset.done $0x0  }
0x4a: {  	[sflag:s3] =	ssyncadd.s32 $0xFFFFFE00  }
0x4b: {  	[tilespmem:s12], [sflag:$0x1] =	stream.indirect.gather [hbm4b:s11+s6], $0x20, s2, s6, $0xb8;
	[tilespmem:$0x10800] =	vst v63  }
0x4c: {  	_ = 	snop  }
0x4d: {  	[tilespmem:s14], [sflag:$0x1] =	stream.indirect.gather [hbm4b:s13+s6], $0x20, s6, s6, $0xb8;
	[tilespmem:$0x10800] =	vst v63  }
0x4e: {  	_ = 	snop  }
0x4f: {  	[tilespmem:s16], [sflag:$0x1] =	stream.indirect.gather [hbm4b:s15+s6], $0x20, s8, s6, $0xb8;
	[tilespmem:$0x10800] =	vst v63  }
0x50: {  	_ = 	snop  }
0x51: {  	[tilespmem:s17], [sflag:$0x1] =	stream.indirect.gather [hbm4b:s15+s6], $0x20, s10, s6, $0xb8;
	[tilespmem:$0x10800] =	vst v63  }
0x52: {  	_ =	swait.ge [sflag:s18], $0x4000  }
0x53: {  	[sflag:s18] =	ssyncset.done $0x0  }
0x54: {  	[sflag:s18] =	ssyncadd.s32 $0xFFFFC000  }
0x55: {  	_ =	swait.ge [sflag:s18], $0x4000  }
0x56: {  	[sflag:s18] =	ssyncset.done $0x0  }
0x57: {  	[sflag:s18] =	ssyncadd.s32 $0xFFFFC000  }
0x58: {  	_ =	swait.ge [sflag:s18], $0x4000  }
0x59: {  	[sflag:s18] =	ssyncset.done $0x0  }
0x5a: {  	[sflag:s18] =	ssyncadd.s32 $0xFFFFC000  }
0x5b: {  	_ =	swait.ge [sflag:s18], $0x4000  }
0x5c: {  	[sflag:s18] =	ssyncset.done $0x0  }
0x5d: {  	[sflag:s18] =	ssyncadd.s32 $0xFFFFC000  }
0x5e: {  	[hbm4b:s19+s2] =	stream.linear.scatter [tilespmem:s12], [sflag:$0x2], $0x4000, $0x38;
	[tilespmem:$0x10800] =	vst v63  }
0x5f: {  	_ =	swait.ge [sflag:s3], $0x4000  }
0x60: {  	[sflag:s3] =	ssyncset.done $0x0  }
0x61: {  	[sflag:s3] =	ssyncadd.s32 $0xFFFFC000  }
0x62: {  	[hbm4b:s20+s2] =	stream.linear.scatter [tilespmem:s14], [sflag:$0x2], $0x4000, $0x38;
	[tilespmem:$0x10800] =	vst v63  }
0x63: {  	_ =	swait.ge [sflag:s3], $0x4000  }
0x64: {  	[sflag:s3] =	ssyncset.done $0x0  }
0x65: {  	[sflag:s3] =	ssyncadd.s32 $0xFFFFC000  }
0x66: {  	[hbm4b:s21+s2] =	stream.linear.scatter [tilespmem:s16], [sflag:$0x2], $0x4000, $0x38;
	[tilespmem:$0x10800] =	vst v63  }
0x67: {  	_ =	swait.ge [sflag:s3], $0x4000  }
.Ltmp1:
0x68: {  	[sflag:s3] =	ssyncset.done $0x0;
	(pc) =	sbr.rel @p0 .LBB2_1-.Ltmp1, $4  }
0x69: {  	[sflag:s3] =	ssyncadd.s32 $0xFFFFC000  }
0x6a: {  	[hbm4b:s22+s2] =	stream.linear.scatter [tilespmem:s17], [sflag:$0x2], $0x4000, $0x38;
	[tilespmem:$0x10800] =	vst v63  }
0x6b: {  	_ =	swait.ge [sflag:s3], $0x4000  }
0x6c: {  	[sflag:s3] =	ssyncset.done $0x0  }
.LBB2_2:
0x6d: {  	[sflag:s3] =	ssyncadd.s32 $0xFFFFC000  }
0x6e: {  	_ =	sfence.sel $0x180000  }
0x6f: {  	[bflag:$0x0] =	sbarrier.arrive $0xFFFF  }
0x70: {  	p0 =	sne.s32 s0, $0x0;
	_ =	strace $0x90000047  }
0x71: {  	s0 =	sadd.s32 @!p0 $0x100000, s1;
	[bflag:$0x2] =	sbarrier.arrive $0xFFFF  }
0x72: {  	[sflag:s0] =	ssyncadd.tile.s32 @!p0 $0x1;
	_ =	shalt  }
.Lfunc_end2:
_tile_overlayer_lowered:
.L_overlay_start_2:
0x73: {  	(tag) =	ssettag $0x2  }
0x74: {  	s0 =	rddreg [dreg:$0x0];
	s2 =	stileid.u32  }
0x75: {  	s1 =	rddreg [dreg:$0x1];
	p0 =	sne.s32 s2, $0x0  }
0x76: {  	s3 =	rddreg [dreg:$0x2];
	[bflag:$0x3] =	sbarrier.arrive $0xFFFF;
	s2 =	simm.s32 @!p0 $0x1C02  }
0x77: {  	[timem:s3], [sflag:s2] =	dma.local @!p0 [hbm:s0], s1  }
0x78: {  	s0 =	simm.s32 @!p0 $0x2  }
0x79: {  	_ =	swait.ge @!p0 [sflag:s0], s1  }
0x7a: {  	s1 =	ssub.s32 @!p0 $0x0, s1;
	[sflag:s0] =	ssyncset.done @!p0 $0x0  }
0x7b: {  	[sflag:s0] =	ssyncadd.s32 @!p0 s1  }
0x7c: {  	[bflag:$0x3] =	sbarrier.arrive $0xFFFF  }
0x7d: {  	_ =	shalt  }

</sc_bundles>
